<compile_context>
chip_gen: v7x
topology: tpu7x:2x2x1
jax: 0.10.2.dev20260603
libtpu: 0.0.44.dev20260713+nightly
codegen_flags: <defaults>
</compile_context>

<pallas_src>
import functools

import jax
import jax.numpy as jnp
from jax import lax
from jax.experimental import pallas as pl
from jax.experimental.pallas import tpu as pltpu
from jax.experimental.pallas import tpu_sc as plsc

_N = 10000
_G = 64
_NC = 2
_NS = 16
_K = 128
_NPAD = 10112



@functools.partial(jax.jit, static_argnames=("feat_dim", "chunks"))
def _sc_scatter(table, init, src3, dst3, *, feat_dim, chunks):
    rps = _NPAD // _NS

    def body(table_r, init_r, src_r, dst_r, out_r, srcv, dstv, rows, acc, sem):
        c = lax.axis_index("c")
        s = lax.axis_index("s")
        pltpu.sync_copy(init_r.at[c, pl.ds(s * rps, rps)],
                        acc.at[pl.ds(s * rps, rps)])
        plsc.subcore_barrier()
        wid = c * _NS + s
        pltpu.sync_copy(src_r.at[wid], srcv)
        pltpu.sync_copy(dst_r.at[wid], dstv)

        def chunk(j, carry):
            pltpu.async_copy(table_r.at[srcv.at[j]], rows, sem).wait()
            pltpu.sync_copy(rows, acc.at[dstv.at[j]], add=True)
            return carry

        lax.fori_loop(0, chunks, chunk, 0)
        plsc.subcore_barrier()
        pltpu.sync_copy(acc.at[pl.ds(s * rps, rps)],
                        out_r.at[c, pl.ds(s * rps, rps)])

    return pl.kernel(
        body,
        out_type=jax.ShapeDtypeStruct((_NC, _NPAD, feat_dim), jnp.float32),
        mesh=plsc.VectorSubcoreMesh(core_axis_name="c", subcore_axis_name="s"),
        scratch_types=[
            pltpu.VMEM((chunks, _K), jnp.int32),
            pltpu.VMEM((chunks, _K), jnp.int32),
            pltpu.VMEM((_K, feat_dim), jnp.float32),
            pltpu.VMEM_SHARED((_NPAD, feat_dim), jnp.float32),
            pltpu.SemaphoreType.DMA,
        ],
        compiler_params=pltpu.CompilerParams(use_tc_tiling_on_sc=False),
    )(table, init, src3, dst3)



def _dot(a, b):
    return lax.dot_general(a, b, (((1,), (0,)), ((), ())),
                           precision=lax.Precision.HIGHEST,
                           preferred_element_type=jnp.float32)


def _bn_masked(u, g, t, mask):
    m = jnp.sum(u * mask, axis=0, keepdims=True) * (1.0 / _N)
    d = (u - m) * mask
    v = jnp.sum(d * d, axis=0, keepdims=True) * (1.0 / _N)
    return (u - m) * lax.rsqrt(v + 1e-5) * g + t


def _mlp(z, Wa, ba, ga, ta, Wb, bb, gb, tb, mask):
    u = _bn_masked(_dot(z, Wa) + ba, ga, ta, mask)
    u = jnp.maximum(u, 0.0)
    u = _bn_masked(_dot(u, Wb) + bb, gb, tb, mask)
    return jnp.maximum(u, 0.0)


def _tc_layer_body(p_ref, Wa_ref, ba_ref, ga_ref, ta_ref,
                   Wb_ref, bb_ref, gb_ref, tb_ref, h_ref):
    z = p_ref[0] + p_ref[1]
    mask = (lax.broadcasted_iota(jnp.int32, (_NPAD, 1), 0)
            < _N).astype(jnp.float32)
    h_ref[...] = _mlp(z, Wa_ref[...], ba_ref[...], ga_ref[...], ta_ref[...],
                      Wb_ref[...], bb_ref[...], gb_ref[...], tb_ref[...],
                      mask)


def _tc_head_body(p_ref, batch_ref, Wa_ref, ba_ref, ga_ref, ta_ref,
                  Wb_ref, bb_ref, gb_ref, tb_ref,
                  Wc1_ref, bc1_ref, gc1_ref, tc1_ref, Wc2_ref, bc2_ref,
                  out_ref):
    z = p_ref[0] + p_ref[1]
    mask = (lax.broadcasted_iota(jnp.int32, (_NPAD, 1), 0)
            < _N).astype(jnp.float32)
    h = _mlp(z, Wa_ref[...], ba_ref[...], ga_ref[...], ta_ref[...],
             Wb_ref[...], bb_ref[...], gb_ref[...], tb_ref[...], mask)
    onehot = (batch_ref[...] ==
              lax.broadcasted_iota(jnp.int32, (_G, _NPAD), 0)
              ).astype(jnp.float32)
    sums = _dot(onehot, h)
    cnt = jnp.sum(onehot, axis=1, keepdims=True)
    hm = sums / jnp.maximum(cnt, 1.0)
    zc = _dot(hm, Wc1_ref[...]) + bc1_ref[...]
    m = jnp.mean(zc, axis=0, keepdims=True)
    v = jnp.mean((zc - m) ** 2, axis=0, keepdims=True)
    zc = (zc - m) * lax.rsqrt(v + 1e-5) * gc1_ref[...] + tc1_ref[...]
    zc = jnp.maximum(zc, 0.0)
    zc = _dot(zc, Wc2_ref[...]) + bc2_ref[...]
    mx = jnp.max(zc, axis=1, keepdims=True)
    out_ref[...] = (zc - mx) - jnp.log(
        jnp.sum(jnp.exp(zc - mx), axis=1, keepdims=True))



def kernel(x, edge_index, batch, W1a, b1a, g1a, t1a, W1b, b1b, g1b, t1b,
           W2a, b2a, g2a, t2a, W2b, b2b, g2b, t2b,
           Wc1, bc1, gc1, tc1, Wc2, bc2):
    F = x.shape[1]
    H = W1a.shape[1]
    E = edge_index.shape[1]
    W = _NC * _NS
    chunks = -(-E // (W * _K))
    epad = W * _K * chunks
    extra = epad - E

    src = jnp.concatenate([edge_index[0],
                           jnp.zeros((extra,), jnp.int32)]).reshape(W, chunks, _K)
    dst = jnp.concatenate([edge_index[1],
                           jnp.full((extra,), _N, jnp.int32)]).reshape(W, chunks, _K)

    row2 = lambda a: a.reshape(1, -1)
    zpadF = jnp.zeros((_NPAD, F), jnp.float32)
    xpad = jnp.concatenate([x, jnp.zeros((_NPAD - _N, F), jnp.float32)], axis=0)

    p1 = _sc_scatter(x, jnp.stack([xpad, zpadF]), src, dst,
                     feat_dim=F, chunks=chunks)

    h = pl.pallas_call(
        _tc_layer_body,
        out_shape=jax.ShapeDtypeStruct((_NPAD, H), jnp.float32),
    )(p1, W1a, row2(b1a), row2(g1a), row2(t1a),
      W1b, row2(b1b), row2(g1b), row2(t1b))

    zpadH = jnp.zeros((_NPAD, H), jnp.float32)
    p2 = _sc_scatter(h, jnp.stack([h, zpadH]), src, dst,
                     feat_dim=H, chunks=chunks)

    batchp = jnp.concatenate([batch,
                              jnp.full((_NPAD - _N,), _G, jnp.int32)]).reshape(1, -1)
    out = pl.pallas_call(
        _tc_head_body,
        out_shape=jax.ShapeDtypeStruct((_G, Wc2.shape[1]), jnp.float32),
    )(p2, batchp, W2a, row2(b2a), row2(g2a), row2(t2a),
      W2b, row2(b2b), row2(g2b), row2(t2b),
      Wc1, row2(bc1), row2(gc1), row2(tc1), Wc2, row2(bc2))
    return out

# --- scband reference (transcript-rebuilt; emitter-appended) ---
"""Pipeline reference for scband-ginclassifier-33346126086713 (READ-ONLY COPY).

The authoritative reference and input builder live on the scoring server;
editing this copy changes nothing except your own understanding.
"""

import jax, jax.numpy as jnp
import numpy as np

N = 10000
E = 320000
F = 128
H = 64
C = 10
G = 64


def _bn(h, g, b):
    m = jnp.mean(h, axis=0)
    v = jnp.var(h, axis=0)
    return (h - m) / jnp.sqrt(v + 1e-5) * g + b


def _mlp(h, Wa, ba, ga, ta, Wb, bb, gb, tb):
    h = _bn(h @ Wa + ba, ga, ta)
    h = jax.nn.relu(h)
    h = _bn(h @ Wb + bb, gb, tb)
    h = jax.nn.relu(h)
    return h


def setup_inputs(seed: int = 0):
    key = jax.random.key(seed)
    ks = jax.random.split(key, 32)
    d = {}
    d['x'] = jax.random.normal(ks[0], (N, F), jnp.float32)
    d['edge_index'] = jax.random.randint(ks[1], (2, E), 0, N, jnp.int32)
    d['batch'] = jnp.sort(jax.random.randint(ks[2], (N,), 0, G, jnp.int32))

    def lin(k, fi, fo):
        lim = 1.0 / np.sqrt(fi)
        return jax.random.uniform(k, (fi, fo), jnp.float32, -lim, lim)

    def vec(k, fi, n):
        lim = 1.0 / np.sqrt(fi)
        return jax.random.uniform(k, (n,), jnp.float32, -lim, lim)

    # GINConv mlp1
    d['W1a'] = lin(ks[3], F, H); d['b1a'] = vec(ks[4], F, H)
    d['g1a'] = jnp.ones((H,), jnp.float32); d['t1a'] = jnp.zeros((H,), jnp.float32)
    d['W1b'] = lin(ks[5], H, H); d['b1b'] = vec(ks[6], H, H)
    d['g1b'] = jnp.ones((H,), jnp.float32); d['t1b'] = jnp.zeros((H,), jnp.float32)
    # GINConv mlp2
    d['W2a'] = lin(ks[7], H, H); d['b2a'] = vec(ks[8], H, H)
    d['g2a'] = jnp.ones((H,), jnp.float32); d['t2a'] = jnp.zeros((H,), jnp.float32)
    d['W2b'] = lin(ks[9], H, H); d['b2b'] = vec(ks[10], H, H)
    d['g2b'] = jnp.ones((H,), jnp.float32); d['t2b'] = jnp.zeros((H,), jnp.float32)
    # classifier
    d['Wc1'] = lin(ks[11], H, H); d['bc1'] = vec(ks[12], H, H)
    d['gc1'] = jnp.ones((H,), jnp.float32); d['tc1'] = jnp.zeros((H,), jnp.float32)
    d['Wc2'] = lin(ks[13], H, C); d['bc2'] = vec(ks[14], H, C)
    return d


def reference(x, edge_index, batch, W1a, b1a, g1a, t1a, W1b, b1b, g1b, t1b,
              W2a, b2a, g2a, t2a, W2b, b2b, g2b, t2b,
              Wc1, bc1, gc1, tc1, Wc2, bc2):
    src = edge_index[0]
    dst = edge_index[1]
    # GINConv layer 1: h = mlp1((1+eps)*x + sum_{j in N(i)} x_j), eps=0
    agg = jnp.zeros_like(x).at[dst].add(x[src])
    h = _mlp(x + agg, W1a, b1a, g1a, t1a, W1b, b1b, g1b, t1b)
    h = jax.nn.relu(h)
    # GINConv layer 2
    agg2 = jnp.zeros_like(h).at[dst].add(h[src])
    h = _mlp(h + agg2, W2a, b2a, g2a, t2a, W2b, b2b, g2b, t2b)
    h = jax.nn.relu(h)
    # global mean pool over graphs
    sums = jax.ops.segment_sum(h, batch, num_segments=G)
    cnt = jax.ops.segment_sum(jnp.ones((N,), jnp.float32), batch, num_segments=G)
    hm = sums / jnp.maximum(cnt, 1.0)[:, None]
    # classifier (dropout is identity in eval)
    z = _bn(hm @ Wc1 + bc1, gc1, tc1)
    z = jax.nn.relu(z)
    z = z @ Wc2 + bc2
    return jax.nn.log_softmax(z, axis=1)

if __name__ == "__main__":
    import jax
    _d = setup_inputs()
    print(jax.jit(kernel)(*tuple(_d.values())))

</pallas_src>

<mosaic_0001>
#map = affine_map<(d0, d1) -> (0, 0)>
#map1 = affine_map<(d0, d1) -> (0, 0, 0)>
module attributes {stable_mosaic.version = 14 : i64} {
  func.func @body(%arg0: i32, %arg1: i32, %arg2: memref<10000x128xf32, #tpu.memory_space<hbm>>, %arg3: memref<2x10112x128xf32, #tpu.memory_space<hbm>>, %arg4: memref<32x79x128xi32, #tpu.memory_space<hbm>>, %arg5: memref<32x79x128xi32, #tpu.memory_space<hbm>>, %arg6: memref<2x10112x128xf32, #tpu.memory_space<hbm>>, %arg7: memref<79x128xi32, #tpu.memory_space<vmem>>, %arg8: memref<79x128xi32, #tpu.memory_space<vmem>>, %arg9: memref<128x128xf32, #tpu.memory_space<vmem>>, %arg10: memref<10112x128xf32, #tpu.memory_space<vmem_shared>>, %arg11: memref<!tpu.dma_semaphore, #tpu.memory_space<semaphore_mem>>) attributes {dimension_semantics = [#tpu.dimension_semantics<core_parallel>, #tpu.dimension_semantics<subcore_parallel>], iteration_bounds = array<i64: 2, 16>, scalar_prefetch = 0 : i64, scratch_operands = 5 : i64, tpu.core_type = #tpu.core_type<sc_vector_subcore>, window_params = [{transform_indices = #map}, {transform_indices = #map1}, {transform_indices = #map1}, {transform_indices = #map1}, {transform_indices = #map1}]} {
    %mul3A = arith.constant 632 : i32
    %mul3A_0 = arith.muli %arg1, %mul3A : i32
    %mul3A_1 = arith.constant 632 : i32
    %mul3A_2 = arith.muli %arg1, %mul3A_1 : i32
    "tpu.region"() ({
      %run_scoped3A = tpu.sem_alloc : memref<!tpu.dma_semaphore, #tpu.memory_space<semaphore_mem>>
      %dma_start3A = arith.constant 0 : i32
      %dma_start3A_15 = tpu.memref_slice %arg10[%mul3A_2, %dma_start3A] : memref<10112x128xf32, #tpu.memory_space<vmem_shared>> -> memref<632x128xf32, #tpu.memory_space<vmem_shared>>
      %dma_start3A_16 = arith.constant 0 : i32
      %dma_start3A_17 = tpu.memref_slice %arg3[%arg0, %mul3A_0, %dma_start3A_16] : memref<2x10112x128xf32, #tpu.memory_space<hbm>> -> memref<1x632x128xf32, #tpu.memory_space<hbm>>
      %dma_start3A_18 = tpu.memref_squeeze %dma_start3A_17 : memref<1x632x128xf32, #tpu.memory_space<hbm>> -> memref<632x128xf32, #tpu.memory_space<hbm>>
      tpu.enqueue_dma source(%dma_start3A_18 : memref<632x128xf32, #tpu.memory_space<hbm>>) target(%dma_start3A_15 : memref<632x128xf32, #tpu.memory_space<vmem_shared>>) target_semaphore(%run_scoped3A : memref<!tpu.dma_semaphore, #tpu.memory_space<semaphore_mem>>)
      %dma_wait3A = arith.constant 0 : i32
      %dma_wait3A_19 = tpu.memref_slice %arg10[%mul3A_2, %dma_wait3A] : memref<10112x128xf32, #tpu.memory_space<vmem_shared>> -> memref<632x128xf32, #tpu.memory_space<vmem_shared>>
      %dma_wait3A_20 = arith.constant 0 : i32
      %dma_wait3A_21 = tpu.memref_slice %arg3[%arg0, %mul3A_0, %dma_wait3A_20] : memref<2x10112x128xf32, #tpu.memory_space<hbm>> -> memref<1x632x128xf32, #tpu.memory_space<hbm>>
      %dma_wait3A_22 = tpu.memref_squeeze %dma_wait3A_21 : memref<1x632x128xf32, #tpu.memory_space<hbm>> -> memref<632x128xf32, #tpu.memory_space<hbm>>
      tpu.wait_dma2 semaphore(%run_scoped3A : memref<!tpu.dma_semaphore, #tpu.memory_space<semaphore_mem>>) src(%dma_wait3A_22 : memref<632x128xf32, #tpu.memory_space<hbm>>) dst(%dma_wait3A_19 : memref<632x128xf32, #tpu.memory_space<vmem_shared>>)
      tpu.yield
    }) : () -> ()
    %barrier3A = arith.constant 0 : index
    tpu.barrier barrier_id(%barrier3A)
    %mul3A_3 = arith.constant 16 : i32
    %mul3A_4 = arith.muli %arg0, %mul3A_3 : i32
    %add3A = arith.addi %mul3A_4, %arg1 : i32
    "tpu.region"() ({
      %run_scoped3A = tpu.sem_alloc : memref<!tpu.dma_semaphore, #tpu.memory_space<semaphore_mem>>
      %dma_start3A = arith.constant 0 : i32
      %dma_start3A_15 = arith.constant 0 : i32
      %dma_start3A_16 = tpu.memref_slice %arg4[%add3A, %dma_start3A, %dma_start3A_15] : memref<32x79x128xi32, #tpu.memory_space<hbm>> -> memref<1x79x128xi32, #tpu.memory_space<hbm>>
      %dma_start3A_17 = tpu.memref_squeeze %dma_start3A_16 : memref<1x79x128xi32, #tpu.memory_space<hbm>> -> memref<79x128xi32, #tpu.memory_space<hbm>>
      %dma_start3A_18 = arith.constant 0 : i32
      %dma_start3A_19 = arith.constant 0 : i32
      %dma_start3A_20 = tpu.memref_slice %arg4[%add3A, %dma_start3A_18, %dma_start3A_19] : memref<32x79x128xi32, #tpu.memory_space<hbm>> -> memref<1x79x128xi32, #tpu.memory_space<hbm>>
      %dma_start3A_21 = tpu.memref_squeeze %dma_start3A_20 : memref<1x79x128xi32, #tpu.memory_space<hbm>> -> memref<79x128xi32, #tpu.memory_space<hbm>>
      tpu.enqueue_dma source(%dma_start3A_21 : memref<79x128xi32, #tpu.memory_space<hbm>>) target(%arg7 : memref<79x128xi32, #tpu.memory_space<vmem>>) target_semaphore(%run_scoped3A : memref<!tpu.dma_semaphore, #tpu.memory_space<semaphore_mem>>)
      %dma_wait3A = arith.constant 0 : i32
      %dma_wait3A_22 = arith.constant 0 : i32
      %dma_wait3A_23 = tpu.memref_slice %arg4[%add3A, %dma_wait3A, %dma_wait3A_22] : memref<32x79x128xi32, #tpu.memory_space<hbm>> -> memref<1x79x128xi32, #tpu.memory_space<hbm>>
      %dma_wait3A_24 = tpu.memref_squeeze %dma_wait3A_23 : memref<1x79x128xi32, #tpu.memory_space<hbm>> -> memref<79x128xi32, #tpu.memory_space<hbm>>
      %dma_wait3A_25 = arith.constant 0 : i32
      %dma_wait3A_26 = arith.constant 0 : i32
      %dma_wait3A_27 = tpu.memref_slice %arg4[%add3A, %dma_wait3A_25, %dma_wait3A_26] : memref<32x79x128xi32, #tpu.memory_space<hbm>> -> memref<1x79x128xi32, #tpu.memory_space<hbm>>
      %dma_wait3A_28 = tpu.memref_squeeze %dma_wait3A_27 : memref<1x79x128xi32, #tpu.memory_space<hbm>> -> memref<79x128xi32, #tpu.memory_space<hbm>>
      tpu.wait_dma2 semaphore(%run_scoped3A : memref<!tpu.dma_semaphore, #tpu.memory_space<semaphore_mem>>) src(%dma_wait3A_28 : memref<79x128xi32, #tpu.memory_space<hbm>>) dst(%arg7 : memref<79x128xi32, #tpu.memory_space<vmem>>)
      tpu.yield
    }) : () -> ()
    "tpu.region"() ({
      %run_scoped3A = tpu.sem_alloc : memref<!tpu.dma_semaphore, #tpu.memory_space<semaphore_mem>>
      %dma_start3A = arith.constant 0 : i32
      %dma_start3A_15 = arith.constant 0 : i32
      %dma_start3A_16 = tpu.memref_slice %arg5[%add3A, %dma_start3A, %dma_start3A_15] : memref<32x79x128xi32, #tpu.memory_space<hbm>> -> memref<1x79x128xi32, #tpu.memory_space<hbm>>
      %dma_start3A_17 = tpu.memref_squeeze %dma_start3A_16 : memref<1x79x128xi32, #tpu.memory_space<hbm>> -> memref<79x128xi32, #tpu.memory_space<hbm>>
      %dma_start3A_18 = arith.constant 0 : i32
      %dma_start3A_19 = arith.constant 0 : i32
      %dma_start3A_20 = tpu.memref_slice %arg5[%add3A, %dma_start3A_18, %dma_start3A_19] : memref<32x79x128xi32, #tpu.memory_space<hbm>> -> memref<1x79x128xi32, #tpu.memory_space<hbm>>
      %dma_start3A_21 = tpu.memref_squeeze %dma_start3A_20 : memref<1x79x128xi32, #tpu.memory_space<hbm>> -> memref<79x128xi32, #tpu.memory_space<hbm>>
      tpu.enqueue_dma source(%dma_start3A_21 : memref<79x128xi32, #tpu.memory_space<hbm>>) target(%arg8 : memref<79x128xi32, #tpu.memory_space<vmem>>) target_semaphore(%run_scoped3A : memref<!tpu.dma_semaphore, #tpu.memory_space<semaphore_mem>>)
      %dma_wait3A = arith.constant 0 : i32
      %dma_wait3A_22 = arith.constant 0 : i32
      %dma_wait3A_23 = tpu.memref_slice %arg5[%add3A, %dma_wait3A, %dma_wait3A_22] : memref<32x79x128xi32, #tpu.memory_space<hbm>> -> memref<1x79x128xi32, #tpu.memory_space<hbm>>
      %dma_wait3A_24 = tpu.memref_squeeze %dma_wait3A_23 : memref<1x79x128xi32, #tpu.memory_space<hbm>> -> memref<79x128xi32, #tpu.memory_space<hbm>>
      %dma_wait3A_25 = arith.constant 0 : i32
      %dma_wait3A_26 = arith.constant 0 : i32
      %dma_wait3A_27 = tpu.memref_slice %arg5[%add3A, %dma_wait3A_25, %dma_wait3A_26] : memref<32x79x128xi32, #tpu.memory_space<hbm>> -> memref<1x79x128xi32, #tpu.memory_space<hbm>>
      %dma_wait3A_28 = tpu.memref_squeeze %dma_wait3A_27 : memref<1x79x128xi32, #tpu.memory_space<hbm>> -> memref<79x128xi32, #tpu.memory_space<hbm>>
      tpu.wait_dma2 semaphore(%run_scoped3A : memref<!tpu.dma_semaphore, #tpu.memory_space<semaphore_mem>>) src(%dma_wait3A_28 : memref<79x128xi32, #tpu.memory_space<hbm>>) dst(%arg8 : memref<79x128xi32, #tpu.memory_space<vmem>>)
      tpu.yield
    }) : () -> ()
    %scan3A = arith.constant 0 : i32
    %scan3A_5 = arith.constant 0 : i32
    %scan3A_6 = arith.constant 79 : i32
    %scan3A_7 = arith.addi %scan3A_5, %scan3A_6 : i32
    %scan3A_8 = arith.constant 1 : i32
    scf.for %scan3A_15 = %scan3A_5 to %scan3A_7 step %scan3A_8  : i32 {
      %dma_start3A = arith.constant 0 : i32
      %dma_start3A_16 = tpu.memref_slice %arg7[%scan3A_15, %dma_start3A] : memref<79x128xi32, #tpu.memory_space<vmem>> -> memref<1x128xi32, #tpu.memory_space<vmem>>
      %dma_start3A_17 = tpu.memref_squeeze %dma_start3A_16 : memref<1x128xi32, #tpu.memory_space<vmem>> -> memref<128xi32, #tpu.memory_space<vmem>>
      %dma_start3A_18 = arith.constant 0 : i32
      %dma_start3A_19 = arith.constant 0 : i32
      %dma_start3A_20 = tpu.memref_slice %arg2[%dma_start3A_18, %dma_start3A_19] : memref<10000x128xf32, #tpu.memory_space<hbm>> -> memref<10000x128xf32, #tpu.memory_space<hbm>>
      tpu.enqueue_indirect_dma source(%dma_start3A_20 : memref<10000x128xf32, #tpu.memory_space<hbm>>) target(%arg9 : memref<128x128xf32, #tpu.memory_space<vmem>>) offsets(%dma_start3A_17 : memref<128xi32, #tpu.memory_space<vmem>>) semaphore(%arg11 : memref<!tpu.dma_semaphore, #tpu.memory_space<semaphore_mem>>)
      %dma_wait3A = arith.constant 0 : i32
      %dma_wait3A_21 = tpu.memref_slice %arg7[%scan3A_15, %dma_wait3A] : memref<79x128xi32, #tpu.memory_space<vmem>> -> memref<1x128xi32, #tpu.memory_space<vmem>>
      %dma_wait3A_22 = tpu.memref_squeeze %dma_wait3A_21 : memref<1x128xi32, #tpu.memory_space<vmem>> -> memref<128xi32, #tpu.memory_space<vmem>>
      %dma_wait3A_23 = arith.constant 0 : i32
      %dma_wait3A_24 = arith.constant 0 : i32
      %dma_wait3A_25 = tpu.memref_slice %arg2[%dma_wait3A_23, %dma_wait3A_24] : memref<10000x128xf32, #tpu.memory_space<hbm>> -> memref<10000x128xf32, #tpu.memory_space<hbm>>
      tpu.wait_indirect_dma semaphore(%arg11 : memref<!tpu.dma_semaphore, #tpu.memory_space<semaphore_mem>>) src(%dma_wait3A_25 : memref<10000x128xf32, #tpu.memory_space<hbm>>) dst(%arg9 : memref<128x128xf32, #tpu.memory_space<vmem>>)
      "tpu.region"() ({
        %run_scoped3A = tpu.sem_alloc : memref<!tpu.dma_semaphore, #tpu.memory_space<semaphore_mem>>
        %dma_start3A_26 = arith.constant 0 : i32
        %dma_start3A_27 = tpu.memref_slice %arg8[%scan3A_15, %dma_start3A_26] : memref<79x128xi32, #tpu.memory_space<vmem>> -> memref<1x128xi32, #tpu.memory_space<vmem>>
        %dma_start3A_28 = tpu.memref_squeeze %dma_start3A_27 : memref<1x128xi32, #tpu.memory_space<vmem>> -> memref<128xi32, #tpu.memory_space<vmem>>
        %dma_start3A_29 = arith.constant 0 : i32
        %dma_start3A_30 = arith.constant 0 : i32
        %dma_start3A_31 = tpu.memref_slice %arg10[%dma_start3A_29, %dma_start3A_30] : memref<10112x128xf32, #tpu.memory_space<vmem_shared>> -> memref<10112x128xf32, #tpu.memory_space<vmem_shared>>
        tpu.enqueue_indirect_dma source(%arg9 : memref<128x128xf32, #tpu.memory_space<vmem>>) target(%dma_start3A_31 : memref<10112x128xf32, #tpu.memory_space<vmem_shared>>) offsets(%dma_start3A_28 : memref<128xi32, #tpu.memory_space<vmem>>) semaphore(%run_scoped3A : memref<!tpu.dma_semaphore, #tpu.memory_space<semaphore_mem>>) {add = true}
        %dma_wait3A_32 = arith.constant 0 : i32
        %dma_wait3A_33 = tpu.memref_slice %arg8[%scan3A_15, %dma_wait3A_32] : memref<79x128xi32, #tpu.memory_space<vmem>> -> memref<1x128xi32, #tpu.memory_space<vmem>>
        %dma_wait3A_34 = tpu.memref_squeeze %dma_wait3A_33 : memref<1x128xi32, #tpu.memory_space<vmem>> -> memref<128xi32, #tpu.memory_space<vmem>>
        %dma_wait3A_35 = arith.constant 0 : i32
        %dma_wait3A_36 = arith.constant 0 : i32
        %dma_wait3A_37 = tpu.memref_slice %arg10[%dma_wait3A_35, %dma_wait3A_36] : memref<10112x128xf32, #tpu.memory_space<vmem_shared>> -> memref<10112x128xf32, #tpu.memory_space<vmem_shared>>
        tpu.wait_indirect_dma semaphore(%run_scoped3A : memref<!tpu.dma_semaphore, #tpu.memory_space<semaphore_mem>>) src(%arg9 : memref<128x128xf32, #tpu.memory_space<vmem>>) dst(%dma_wait3A_37 : memref<10112x128xf32, #tpu.memory_space<vmem_shared>>)
        tpu.yield
      }) : () -> ()
    }
    %scan3A_9 = arith.constant 79 : i32
    %barrier3A_10 = arith.constant 0 : index
    tpu.barrier barrier_id(%barrier3A_10)
    %mul3A_11 = arith.constant 632 : i32
    %mul3A_12 = arith.muli %arg1, %mul3A_11 : i32
    %mul3A_13 = arith.constant 632 : i32
    %mul3A_14 = arith.muli %arg1, %mul3A_13 : i32
    "tpu.region"() ({
      %run_scoped3A = tpu.sem_alloc : memref<!tpu.dma_semaphore, #tpu.memory_space<semaphore_mem>>
      %dma_start3A = arith.constant 0 : i32
      %dma_start3A_15 = tpu.memref_slice %arg6[%arg0, %mul3A_14, %dma_start3A] : memref<2x10112x128xf32, #tpu.memory_space<hbm>> -> memref<1x632x128xf32, #tpu.memory_space<hbm>>
      %dma_start3A_16 = tpu.memref_squeeze %dma_start3A_15 : memref<1x632x128xf32, #tpu.memory_space<hbm>> -> memref<632x128xf32, #tpu.memory_space<hbm>>
      %dma_start3A_17 = arith.constant 0 : i32
      %dma_start3A_18 = tpu.memref_slice %arg10[%mul3A_12, %dma_start3A_17] : memref<10112x128xf32, #tpu.memory_space<vmem_shared>> -> memref<632x128xf32, #tpu.memory_space<vmem_shared>>
      tpu.enqueue_dma source(%dma_start3A_18 : memref<632x128xf32, #tpu.memory_space<vmem_shared>>) target(%dma_start3A_16 : memref<632x128xf32, #tpu.memory_space<hbm>>) target_semaphore(%run_scoped3A : memref<!tpu.dma_semaphore, #tpu.memory_space<semaphore_mem>>)
      %dma_wait3A = arith.constant 0 : i32
      %dma_wait3A_19 = tpu.memref_slice %arg6[%arg0, %mul3A_14, %dma_wait3A] : memref<2x10112x128xf32, #tpu.memory_space<hbm>> -> memref<1x632x128xf32, #tpu.memory_space<hbm>>
      %dma_wait3A_20 = tpu.memref_squeeze %dma_wait3A_19 : memref<1x632x128xf32, #tpu.memory_space<hbm>> -> memref<632x128xf32, #tpu.memory_space<hbm>>
      %dma_wait3A_21 = arith.constant 0 : i32
      %dma_wait3A_22 = tpu.memref_slice %arg10[%mul3A_12, %dma_wait3A_21] : memref<10112x128xf32, #tpu.memory_space<vmem_shared>> -> memref<632x128xf32, #tpu.memory_space<vmem_shared>>
      tpu.wait_dma2 semaphore(%run_scoped3A : memref<!tpu.dma_semaphore, #tpu.memory_space<semaphore_mem>>) src(%dma_wait3A_22 : memref<632x128xf32, #tpu.memory_space<vmem_shared>>) dst(%dma_wait3A_20 : memref<632x128xf32, #tpu.memory_space<hbm>>)
      tpu.yield
    }) : () -> ()
    return
  }
}

</mosaic_0001>

<sc_bundles>
// kernel: _sc_scatter.3.cloned.1.call-start
scs
__scs_entry_jumppad:
0x0: {  	(pc) =	sbr.rel $0x88, $3  }
0x1: {  	(tag) =	ssettag $0x0;
	lr =	simm.s32 $0x1  }
0x2: {  	[smem:$0x3F9D] =	sst lr;
	_ =	strace $0xD0000000  }
0x3: {  	_ = 	snop  }
0x4: {  	_ = 	snop  }
0x5: {  	_ = 	snop  }
0x6: {  	_ = 	snop  }
0x7: {  	_ = 	snop  }
__scs_overlays_trampoline_lowered:
0x8: {  	[smem:$0x3FAC] =	sst s0  }
0x9: {  	[smem:$0x3FAD] =	sst s1  }
0xa: {  	[smem:$0x3FAE] =	sst s2  }
0xb: {  	[smem:$0x3FAF] =	sst s3  }
0xc: {  	[smem:$0x3FB0] =	sst s4  }
0xd: {  	[smem:$0x3FB1] =	sst s5  }
0xe: {  	[smem:$0x3FB2] =	sst s6  }
0xf: {  	[smem:$0x3FB3] =	sst s7  }
0x10: {  	[smem:$0x3FB4] =	sst s8  }
0x11: {  	[smem:$0x3FB5] =	sst s9;
	s0 =	simm.s32 @!p0 $0x0  }
0x12: {  	s1 =	sld [smem:$0x3F9B];
	s0 =	simm.s32 @p0 $0x1  }
0x13: {  	[smem:$0x3FB6] =	sst s0;
	s0 =	simm.s32 @!p1 $0x0  }
0x14: {  	s2 =	sld [smem:$0x3F9A];
	s0 =	simm.s32 @p1 $0x1  }
0x15: {  	[smem:$0x3FB7] =	sst s0;
	s0 =	simm.s32 @!p2 $0x0  }
0x16: {  	s3 =	sld [smem:$0x3FDB];
	s0 =	simm.s32 @p2 $0x1  }
0x17: {  	s4 =	simm.s32 $0x1BF5;
	[smem:$0x3FB9] =	sst s0  }
0x18: {  	s0 =	sld [smem:$0x3F9C];
	_ =	swait.ge [sflag:s4], $0x0  }
0x19: {  	s7 =	sld [smem:$0x3F9D]  }
0x1a: {  	s8 =	sadd.s32 $0xFFFFE003, lr  }
0x1b: {  	s9 =	sadd.s32 $0xFFFFFEF7, lr;
	s5 =	simm.s32 $0xFFFFFFFF;
	p2 =	slt.u32 s8, $0xFFFFF086  }
0x1c: {  	p1 =	slt.u32 s9, $0xF7A;
	s5 =	simm.s32 @!p2 $0x0  }
0x1d: {  	s5 =	simm.s32 @p1 $0x1;
	p0 =	seq.s32 s7, s2  }
0x1e: {  	s7 =	smul.u32 @!p0 $0xF7A, s2;
	p2 =	seq.s32 @!p0 s5, $0x0  }
0x1f: {  	s9 =	smul.u32 $0xF7A, s1;
	s8 =	simm.s32 @!p0 $0x1BF5;
	p2 =	por !p2, p0  }
0x20: {  	[sflag:s8] =	ssyncset.s32 @!p0 $0xFFFFF086;
	s6 =	sadd.s32 @!p0 s3, s7;
	s7 =	simm.s32 @!p0 $0x108  }
0x21: {  	s3 =	sadd.s32 s3, s9;
	s6 =	sadd.s32 @!p0 $0x88, s6;
	s7 =	simm.s32 @p2 $0x1082  }
0x22: {  	[simem:s7], [sflag:s8] =	dma.local @!p0 [hbm:s6], $0xF7A  }
0x23: {  	s9 =	sor.u32 $0xD0000000, s2;
	s6 =	simm.s32 $0x108;
	_ =	swait.ge @!p0 [sflag:s8], $0x0  }
0x24: {  	s3 =	sadd.s32 $0x88, s3;
	s6 =	simm.s32 @!p1 $0x1082;
	[sflag:s4] =	ssyncset.s32 $0xFFFFF086  }
0x25: {  	[simem:s6], [sflag:s4] =	dma.local [hbm:s3], $0xF7A  }
0x26: {  	[smem:$0x3F9D] =	sst s1;
	(tag) =	ssettag s2;
	_ =	strace s9  }
0x27: {  	s1 =	sld [smem:$0x3FAD]  }
0x28: {  	s2 =	sld [smem:$0x3FAE]  }
0x29: {  	s4 =	sld [smem:$0x3FB0]  }
0x2a: {  	p0 =	seq.s32 s5, $0x0;
	s5 =	sld [smem:$0x3FB1]  }
0x2b: {  	s6 =	sld [smem:$0x3FB2]  }
0x2c: {  	s7 =	sld [smem:$0x3FB3]  }
0x2d: {  	s3 =	simm.s32 $0x108;
	s8 =	sld [smem:$0x3FB4]  }
0x2e: {  	s3 =	simm.s32 @!p0 $0x1082;
	s9 =	sld [smem:$0x3FB5]  }
0x2f: {  	lr =	sadd.s32 s0, s3;
	s0 =	sld [smem:$0x3FAC]  }
0x30: {  	s3 =	sld [smem:$0x3FAF]  }
0x31: {  	[smem:$0x3FB8] =	sst s10  }
0x32: {  	s10 =	sld [smem:$0x3FB6];
	_ =	sdelay $0x3  }
0x33: {  	p0 =	seq.s32 s10, $0x1;
	s10 =	sld [smem:$0x3FB8];
	_ =	sdelay $0x3  }
0x34: {  	[smem:$0x3FB8] =	sst s10  }
0x35: {  	s10 =	sld [smem:$0x3FB7];
	_ =	sdelay $0x3  }
0x36: {  	p1 =	seq.s32 s10, $0x1;
	s10 =	sld [smem:$0x3FB8];
	_ =	sdelay $0x3  }
0x37: {  	[smem:$0x3FB8] =	sst s10  }
0x38: {  	s10 =	sld [smem:$0x3FB9]  }
0x39: {  	_ = 	snop;
	(pc) =	sbr.ind lr, $3  }
0x3a: {  	_ = 	snop  }
0x3b: {  	_ = 	snop  }
0x3c: {  	p2 =	seq.s32 s10, $0x1;
	s10 =	sld [smem:$0x3FB8]  }
0x3d: {  	_ =	shalt  }
0x3e: {  	_ =	shalt  }
0x3f: {  	_ =	shalt  }
0x40: {  	_ =	shalt  }
0x41: {  	_ =	shalt  }
0x42: {  	_ =	shalt  }
0x43: {  	_ =	shalt  }
0x44: {  	_ =	shalt  }
0x45: {  	_ =	shalt  }
0x46: {  	_ =	shalt  }
0x47: {  	_ =	shalt  }
0x48: {  	_ =	shalt  }
0x49: {  	_ =	shalt  }
0x4a: {  	_ =	shalt  }
0x4b: {  	_ =	shalt  }
0x4c: {  	_ =	shalt  }
0x4d: {  	_ =	shalt  }
0x4e: {  	_ =	shalt  }
0x4f: {  	_ =	shalt  }
0x50: {  	_ =	shalt  }
0x51: {  	_ =	shalt  }
0x52: {  	_ =	shalt  }
0x53: {  	_ =	shalt  }
0x54: {  	_ =	shalt  }
0x55: {  	_ =	shalt  }
0x56: {  	_ =	shalt  }
0x57: {  	_ =	shalt  }
0x58: {  	_ =	shalt  }
0x59: {  	_ =	shalt  }
0x5a: {  	_ =	shalt  }
0x5b: {  	_ =	shalt  }
0x5c: {  	_ =	shalt  }
0x5d: {  	_ =	shalt  }
0x5e: {  	_ =	shalt  }
0x5f: {  	_ =	shalt  }
0x60: {  	_ =	shalt  }
0x61: {  	_ =	shalt  }
0x62: {  	_ =	shalt  }
0x63: {  	_ =	shalt  }
0x64: {  	_ =	shalt  }
0x65: {  	_ =	shalt  }
0x66: {  	_ =	shalt  }
0x67: {  	_ =	shalt  }
0x68: {  	_ =	shalt  }
0x69: {  	_ =	shalt  }
0x6a: {  	_ =	shalt  }
0x6b: {  	_ =	shalt  }
0x6c: {  	_ =	shalt  }
0x6d: {  	_ =	shalt  }
0x6e: {  	_ =	shalt  }
0x6f: {  	_ =	shalt  }
0x70: {  	_ =	shalt  }
0x71: {  	_ =	shalt  }
0x72: {  	_ =	shalt  }
0x73: {  	_ =	shalt  }
0x74: {  	_ =	shalt  }
0x75: {  	_ =	shalt  }
0x76: {  	_ =	shalt  }
0x77: {  	_ =	shalt  }
0x78: {  	_ =	shalt  }
0x79: {  	_ =	shalt  }
0x7a: {  	_ =	shalt  }
0x7b: {  	_ =	shalt  }
0x7c: {  	_ =	shalt  }
0x7d: {  	_ =	shalt  }
0x7e: {  	_ =	shalt  }
0x7f: {  	_ =	shalt  }
0x80: {  	_ =	shalt  }
0x81: {  	_ =	shalt  }
0x82: {  	_ =	shalt  }
0x83: {  	_ =	shalt  }
0x84: {  	_ =	shalt  }
0x85: {  	_ =	shalt  }
0x86: {  	_ =	shalt  }
0x87: {  	_ =	shalt  }
.Lfunc_end0:
.L_simem_size_0:
called_computation_lowered:
.L_overlay_start_0:
0x88: {  	s2 =	sld [smem:$0x3FD9]  }
0x89: {  	s3 =	sld [smem:$0x3FFE];
	_ =	sdelay $0x1  }
0x8a: {  	s1 =	srdreg.scid  }
0x8b: {  	s0 =	sand.u32 $0x1, s1  }
0x8c: {  	s17 =	sshll.u32 s0, $0xA;
	s2 =	sadd.s32 s3, s2  }
0x8d: {  	s2 =	sadd.s32 s2, s17  }
0x8e: {  	[smem:$0x3FC4] =	sst s2  }
0x8f: {  	_ = 	snop  }
0x90: {  	s2 =	sld [smem:$0x3FC9]  }
0x91: {  	s18 =	sld [smem:$0x3FC8]  }
0x92: {  	s4 =	sld [smem:$0x3FD0];
	(tm) =	ssettm $0x1  }
0x93: {  	s5 =	sld [smem:$0x3FFB];
	_ =	sdelay $0x3  }
0x94: {  	_ =	strace s5  }
0x95: {  	s5 =	sld [smem:$0x3FFC];
	_ =	sdelay $0x3  }
0x96: {  	_ =	strace s5  }
0x97: {  	s5 =	sld [smem:$0x3FFD];
	_ =	sdelay $0x3  }
0x98: {  	_ =	strace s5  }
0x99: {  	_ =	strace $0x8FFFFFFF  }
0x9a: {  	s19 =	sld [smem:$0x3FDB];
	_ =	sdelay $0x1  }
0x9b: {  	s6 =	simm.s32 $_scs_section_size  }
0x9c: {  	s7 =	simm.s32 $_size__tile_overlayer_lowered;
	s8 =	simm.s32 $_tile_overlayer_lowered  }
0x9d: {  	s22 =	simm.s32 $0x1BFF;
	s21 =	sshll.u32 s8, $0x1;
	s5 =	sadd.s32 s6, s19  }
0x9e: {  	s9 =	simm.s32 $0x0;
	s20 =	sshll.u32 s7, $0x1;
	s7 =	sadd.s32 s21, s5  }
0x9f: {  	[timem:s9], [sflag:s22] =	dma.local [hbm:s7], s20  }
0xa0: {  	_ =	swait.ge [sflag:s22], s20  }
0xa1: {  	s6 =	ssub.s32 $0x0, s20;
	[sflag:s22] =	ssyncset.done $0x0  }
0xa2: {  	[sflag:s22] =	ssyncadd.s32 s6;
	_ =	sdelay $0x1  }
0xa3: {  	s23 =	simm.s32 $0x1B8B  }
0xa4: {  	_ =	swait.ge [sflag:s23], $0x1  }
0xa5: {  	[sflag:s23] =	ssyncset.done $0x0  }
0xa6: {  	s25 =	simm.s32 $0x1B8E;
	s24 =	sld [smem:$0x3FFE];
	[sflag:s23] =	ssyncadd.s32 $0xFFFFFFFF  }
0xa7: {  	s26 =	simm.s32 $execute0_lowered;
	[smem:$0x3FD2] =	sst s25  }
0xa8: {  	s7 =	sshll.u32 s26, $0x1;
	_ =	strace $0x80000046;
	[dreg:$0x1] =	wrdreg $0xFFFFFFFF  }
0xa9: {  	s28 =	simm.s32 $_size_execute0_lowered;
	s5 =	sadd.s32 s5, s7;
	[dreg:$0x0] =	wrdreg $0x0  }
0xaa: {  	s7 =	sshll.u32 s28, $0x1;
	[dreg:$0x2] =	wrdreg s5  }
0xab: {  	[dreg:$0x3] =	wrdreg s7  }
0xac: {  	[dreg:$0x4] =	wrdreg $0xC0  }
0xad: {  	_ =	task [dreg:s9], $0x5FFFF  }
0xae: {  	[dreg:$0x1] =	wrdreg $0xFFFFFFFF  }
0xaf: {  	[dreg:$0x0] =	wrdreg $0x60  }
0xb0: {  	[dreg:$0x2] =	wrdreg s2  }
0xb1: {  	[dreg:$0x3] =	wrdreg s18  }
0xb2: {  	[dreg:$0x4] =	wrdreg s24  }
0xb3: {  	[dreg:$0x5] =	wrdreg s4  }
0xb4: {  	[dreg:$0x6] =	wrdreg $0x8F000  }
0xb5: {  	[dreg:$0x7] =	wrdreg $0x9  }
0xb6: {  	_ =	task.clear_ibuf [dreg:s9], $0x8FFFF;
	_ =	strace $0x90000046  }
0xb7: {  	s29 =	simm.s32 $0x9;
	_ =	strace $0x80000048  }
0xb8: {  	_ =	swait.ge [sflag:s29], $0x1  }
0xb9: {  	[sflag:s29] =	ssyncadd.s32 $0xFFFFFFFF  }
0xba: {  	_ =	strace $0x90000048  }
0xbb: {  	_ =	sfence  }
0xbc: {  	s30 =	sld [smem:$0x0];
	_ =	sdelay $0x2  }
0xbd: {  	s31 =	sshll.u32 s1, $0xD;
	s1 =	sshrl.u32 s1, $0x2  }
0xbe: {  	s3 =	sand.u32 $0x4000, s31;
	s1 =	sadd.s32 s1, s30  }
0xbf: {  	s0 =	sor.u32 s3, s0;
	s1 =	sshll.u32 s1, $0x11  }
0xc0: {  	s0 =	sor.u32 s1, s0  }
0xc1: {  	s0 =	sadd.s32 $0x8F2B, s0  }
0xc2: {  	[sflag:s0] =	ssyncadd.remote.s32 $0x1  }
0xc3: {  	_ =	sfence.sel $0xFFFF  }
0xc4: {  	[dreg:$0x0] =	wrdreg $0xFFFFFFFF;
	(pc) =	sbr.abs _section_cstart, $3  }
0xc5: {  	[dreg:$0x1] =	wrdreg $0xFFFFFFFF  }
0xc6: {  	_ =	task.clear_ibuf [dreg:s9], $0x2FFFF;
	_ =	strace $0x9FFFFFFF  }
0xc7: {  	(tm) =	ssettm $0x7FFFFFFF  }
tec
execute0_lowered:
.L_overlay_start_1:
0x0: {  	(tag) =	ssettag $0x1  }
0x1: {  	s0 =	rddreg [dreg:$0x0]  }
0x2: {  	s5 =	rddreg [dreg:$0x1]  }
0x3: {  	s6 =	rddreg [dreg:$0x2]  }
0x4: {  	s9 =	rddreg [dreg:$0x3];
	s1 =	srdreg.scid  }
0x5: {  	s3 =	rddreg [dreg:$0x4];
	s2 =	stileid.u32;
	s4 =	simm.s32 $0x0  }
0x6: {  	s14 =	simm.s32 $0x80;
	s15 =	simm.s32 $0x4F00;
	s16 =	simm.s32 $0x1  }
0x7: {  	s17 =	simm.s32 $0x0;
	s7 =	sand.u32 $0x1, s1;
	s1 =	rddreg [dreg:$0x5]  }
0x8: {  	s10 =	smul.u32 $0x13C00, s2;
	[smem:$0x7FF] =	sst s4;
	s31 =	sshll.u32 s2, $0x6  }
0x9: {  	s8 =	sshll.u32 s7, $0x4;
	s11 =	smul.u32 $0x13C000, s7;
	s7 =	ssub.s32 $0x2, s7  }
0xa: {  	_ =	strace $0x80000047;
	s8 =	sor.u32 s2, s8;
	s12 =	sshrl.u32 s7, $0x1  }
0xb: {  	s8 =	smul.u32 $0x4F0, s8;
	s11 =	sadd.s32 s10, s11;
	s12 =	ssub.s32 s7, s12  }
0xc: {  	s13 =	sadd.s32 s10, s3;
	s11 =	sshrl.u32 s11, $0x3;
	s10 =	smax.u32 s12, $0x1  }
0xd: {  	s12 =	simm.s32 $0x2;
	s8 =	sadd.s32 s8, s6;
	s5 =	sadd.s32 s5, s11  }
0xe: {  	s6 =	sor.u32 $0x1C02, s31;
	s9 =	sadd.s32 s9, s11;
	s11 =	sshrl.u32 s13, $0x3  }
0xf: {  	s13 =	simm.s32 $0x2780;
	s7 =	sadd.s32 $0x600, s8;
	s8 =	sadd.s32 $0xA400, s8  }
.LBB2_1:
0x10: {  	[spmem:s11], [sflag:s6] =	dma.local [hbm:s5], $0x2780  }
0x11: {  	_ =	swait.ge [sflag:s12], $0x2780  }
0x12: {  	[sflag:s12] =	ssyncset.done $0x0  }
0x13: {  	[sflag:s12] =	ssyncadd.s32 $0xFFFFD880  }
0x14: {  	[bflag:$0x0] =	sbarrier.arrive $0xFFFF  }
0x15: {  	[tilespmem:s4], [sflag:$0x2] =	stream.linear.gather [hbm4b:s7+s4], $0x2780, $0x38;
	[tilespmem:$0x1CB00] =	vst v63  }
0x16: {  	_ =	swait.ge [sflag:s12], $0x2780  }
0x17: {  	[sflag:s12] =	ssyncset.done $0x0  }
0x18: {  	[sflag:s12] =	ssyncadd.s32 $0xFFFFD880  }
0x19: {  	[tilespmem:s13], [sflag:$0x2] =	stream.linear.gather [hbm4b:s8+s4], $0x2780, $0x38;
	[tilespmem:$0x1CB00] =	vst v63  }
0x1a: {  	_ =	swait.ge [sflag:s12], $0x2780  }
0x1b: {  	[sflag:s12] =	ssyncset.done $0x0  }
0x1c: {  	s18 =	simm.s32 $0x0;
	[sflag:s12] =	ssyncadd.s32 $0xFFFFD880  }
0x1d: {  	[tilespmem:s15], [sflag:$0x1] =	stream.indirect.gather [hbm4b:s0+s14], $0x80, s18, s14, $0xb8;
	[tilespmem:$0x1CB00] =	vst v63  }
0x1e: {  	_ =	swait.ge [sflag:s16], $0x4000  }
0x1f: {  	[sflag:s16] =	ssyncset.done $0x0  }
0x20: {  	s31 =	simm.s32 $0x2780;
	[sflag:s16] =	ssyncadd.s32 $0xFFFFC000  }
0x21: {  	[spmem:s3] =	stream.indirect.scatter.add.f32 [tilespmem:s15], [sflag:$0x2], $0x80, s31, s14, $0xb8;
	[tilespmem:$0x1CB00] =	vst v63  }
0x22: {  	_ =	swait.ge [sflag:s12], $0x4000  }
0x23: {  	s19 =	simm.s32 $0x400;
	s18 =	simm.s32 $0x200;
	[sflag:s12] =	ssyncset.done $0x0  }
.LBB2_2:
0x24: {  	s20 =	sshra.s32 s18, $0x2  }
0x25: {  	[sflag:s12] =	ssyncadd.s32 $0xFFFFC000;
	s18 =	smov.u32 s19;
	s21 =	sadd.s32 $0x200, s19  }
0x26: {  	[tilespmem:s15], [sflag:$0x1] =	stream.indirect.gather [hbm4b:s0+s14], $0x80, s20, s14, $0xb8;
	[tilespmem:$0x1CB00] =	vst v63  }
0x27: {  	p0 =	sne.s32 s19, $0x9C00;
	_ =	swait.ge [sflag:s16], $0x4000  }
.Ltmp0:
0x28: {  	[sflag:s16] =	ssyncset.done $0x0;
	(pc) =	sbr.rel @p0 .LBB2_2-.Ltmp0, $4  }
0x29: {  	s19 =	sadd.s32 $0x2780, s20;
	[sflag:s16] =	ssyncadd.s32 $0xFFFFC000  }
0x2a: {  	[spmem:s3] =	stream.indirect.scatter.add.f32 [tilespmem:s15], [sflag:$0x2], $0x80, s19, s14, $0xb8;
	[tilespmem:$0x1CB00] =	vst v63  }
0x2b: {  	_ =	swait.ge [sflag:s12], $0x4000  }
0x2c: {  	s19 =	smov.u32 s21;
	[sflag:s12] =	ssyncset.done $0x0  }
0x2d: {  	s18 =	sshra.s32 s18, $0x2;
	[sflag:s12] =	ssyncadd.s32 $0xFFFFC000  }
0x2e: {  	[tilespmem:s15], [sflag:$0x1] =	stream.indirect.gather [hbm4b:s0+s14], $0x80, s18, s14, $0xb8;
	[tilespmem:$0x1CB00] =	vst v63  }
0x2f: {  	_ =	swait.ge [sflag:s16], $0x4000  }
0x30: {  	[sflag:s16] =	ssyncset.done $0x0  }
0x31: {  	s18 =	sadd.s32 $0x2780, s18;
	[sflag:s16] =	ssyncadd.s32 $0xFFFFC000  }
0x32: {  	[spmem:s3] =	stream.indirect.scatter.add.f32 [tilespmem:s15], [sflag:$0x2], $0x80, s18, s14, $0xb8;
	[tilespmem:$0x1CB00] =	vst v63  }
0x33: {  	_ =	swait.ge [sflag:s12], $0x4000  }
0x34: {  	s17 =	sadd.s32 $0x1, s17;
	[sflag:s12] =	ssyncset.done $0x0  }
0x35: {  	p0 =	sne.s32 s17, s10;
	[sflag:s12] =	ssyncadd.s32 $0xFFFFC000  }
.Ltmp1:
0x36: {  	[bflag:$0x0] =	sbarrier.arrive $0xFFFF;
	(pc) =	sbr.rel @p0 .LBB2_1-.Ltmp1, $4  }
0x37: {  	[hbm:s9], [sflag:s6] =	dma.local [spmem:s11], $0x2780  }
0x38: {  	_ =	swait.ge [sflag:s12], $0x2780  }
0x39: {  	[sflag:s12] =	ssyncset.done $0x0  }
0x3a: {  	[sflag:s12] =	ssyncadd.s32 $0xFFFFD880  }
0x3b: {  	_ =	sfence.sel $0x180000  }
0x3c: {  	[bflag:$0x0] =	sbarrier.arrive $0xFFFF  }
0x3d: {  	p0 =	sne.s32 s2, $0x0;
	_ =	strace $0x90000047  }
0x3e: {  	s0 =	sadd.s32 @!p0 $0x100000, s1;
	[bflag:$0x2] =	sbarrier.arrive $0xFFFF  }
0x3f: {  	[sflag:s0] =	ssyncadd.tile.s32 @!p0 $0x1;
	_ =	shalt  }
.Lfunc_end2:
_tile_overlayer_lowered:
.L_overlay_start_2:
0x40: {  	(tag) =	ssettag $0x2  }
0x41: {  	s0 =	rddreg [dreg:$0x0];
	s2 =	stileid.u32  }
0x42: {  	s1 =	rddreg [dreg:$0x1];
	p0 =	sne.s32 s2, $0x0  }
0x43: {  	s3 =	rddreg [dreg:$0x2];
	[bflag:$0x3] =	sbarrier.arrive $0xFFFF;
	s2 =	simm.s32 @!p0 $0x1C02  }
0x44: {  	[timem:s3], [sflag:s2] =	dma.local @!p0 [hbm:s0], s1  }
0x45: {  	s0 =	simm.s32 @!p0 $0x2  }
0x46: {  	_ =	swait.ge @!p0 [sflag:s0], s1  }
0x47: {  	s1 =	ssub.s32 @!p0 $0x0, s1;
	[sflag:s0] =	ssyncset.done @!p0 $0x0  }
0x48: {  	[sflag:s0] =	ssyncadd.s32 @!p0 s1  }
0x49: {  	[bflag:$0x3] =	sbarrier.arrive $0xFFFF  }
0x4a: {  	_ =	shalt  }

</sc_bundles>
